<compile_context>
chip_gen: v7x
topology: tpu7x:2x2x1
jax: 0.10.2.dev20260603
libtpu: 0.0.44.dev20260713+nightly
codegen_flags: <defaults>
</compile_context>

<pallas_src>
import jax
import jax.numpy as jnp
from jax.experimental import pallas as pl

_SZ = 2048
_TEMP = 10.0
_EPS = 1e-20
_BR = 256


def _body(at_ref, ut_ref, o_ref):
    l0 = _EPS - jnp.log(ut_ref[0] + _EPS)
    l1 = _EPS - jnp.log(ut_ref[1] + _EPS)
    x = (at_ref[0] - at_ref[1] + jnp.log(l1 / l0)) * (1.0 / _TEMP)
    o_ref[...] = jax.nn.sigmoid(x)


def kernel(gen_matrix, u):
    u3 = u.reshape(_SZ, _SZ, 2)
    at = jnp.moveaxis(gen_matrix, 2, 0)
    ut = jnp.moveaxis(u3, 2, 0)
    spec3 = pl.BlockSpec((2, _BR, _SZ), lambda i: (0, i, 0))
    return pl.pallas_call(
        _body,
        grid=(_SZ // _BR,),
        in_specs=[spec3, spec3],
        out_specs=pl.BlockSpec((_BR, _SZ), lambda i: (i, 0)),
        out_shape=jax.ShapeDtypeStruct((_SZ, _SZ), jnp.float32),
    )(at, ut)

# --- scband reference (transcript-rebuilt; emitter-appended) ---
"""Pipeline reference for scband-gumbel-generator-old-16484084483463 (READ-ONLY COPY).

The authoritative reference and input builder live on the scoring server;
editing this copy changes nothing except your own understanding.
"""

import jax, jax.numpy as jnp
import numpy as np

SZ = 2048
TEMP = 10.0
EPS = 1e-20


def setup_inputs(seed: int = 0) -> dict:
    key = jax.random.key(seed)
    k1, k2 = jax.random.split(key)
    # learned parameter: Parameter(torch.rand(sz, sz, 2))
    gen_matrix = jax.random.uniform(k1, (SZ, SZ, 2), dtype=jnp.float32)
    # uniform noise for the Gumbel sample (torch.rand inside gumbel_sample)
    u = jax.random.uniform(k2, (SZ * SZ, 2), dtype=jnp.float32)
    return {"gen_matrix": gen_matrix, "u": u}


def reference(gen_matrix, u):
    # sample_all(hard=False): logp = gen_matrix.view(-1, 2)
    logits = gen_matrix.reshape(-1, 2)
    # gumbel_sample: -log(-log(u + eps) + eps)
    gumbel = -jnp.log(-jnp.log(u + EPS) + EPS)
    # gumbel_softmax_sample: softmax((logits + gumbel) / temperature, dim=1)
    y = jax.nn.softmax((logits + gumbel) / TEMP, axis=1)
    # out_matrix = out[:, 0].view(sz, sz)
    out_matrix = y[:, 0].reshape(SZ, SZ)
    return out_matrix

if __name__ == "__main__":
    import jax
    _d = setup_inputs()
    print(jax.jit(kernel)(*tuple(_d.values())))

</pallas_src>

<mosaic_0001>
module attributes {stable_mosaic.version = 14 : i64} {
  func.func @_body(%arg0: i32, %arg1: memref<2x256x2048xf32, #tpu.memory_space<vmem>>, %arg2: memref<2x256x2048xf32, #tpu.memory_space<vmem>>, %arg3: memref<256x2048xf32, #tpu.memory_space<vmem>>) attributes {dimension_semantics = [#tpu.dimension_semantics<arbitrary>], iteration_bounds = array<i64: 8>, scalar_prefetch = 0 : i64, scratch_operands = 0 : i64, tpu.core_type = #tpu.core_type<tc>, window_params = [{transform_indices = @transform_0, window_bounds = array<i64: 2, 256, 2048>}, {transform_indices = @transform_1, window_bounds = array<i64: 2, 256, 2048>}, {transform_indices = @transform_2, window_bounds = array<i64: 256, 2048>}]} {
    %get3A = arith.constant 0 : index
    %get3A_0 = arith.constant 0 : index
    %get3A_1 = arith.constant 0 : index
    %get3A_2 = vector.load %arg2[%get3A, %get3A_0, %get3A_1] : memref<2x256x2048xf32, #tpu.memory_space<vmem>>, vector<1x256x2048xf32>
    %get3A_3 = vector.shape_cast %get3A_2 : vector<1x256x2048xf32> to vector<256x2048xf32>
    %add3A = arith.constant 9.99999968E-21 : f32
    %add3A_4 = vector.broadcast %add3A : f32 to vector<256x2048xf32>
    %add3A_5 = arith.addf %get3A_3, %add3A_4 : vector<256x2048xf32>
    %log3A = math.log %add3A_5 : vector<256x2048xf32>
    %sub3A = arith.constant 9.99999968E-21 : f32
    %sub3A_6 = vector.broadcast %sub3A : f32 to vector<256x2048xf32>
    %sub3A_7 = arith.subf %sub3A_6, %log3A : vector<256x2048xf32>
    %get3A_8 = arith.constant 1 : index
    %get3A_9 = arith.constant 0 : index
    %get3A_10 = arith.constant 0 : index
    %get3A_11 = vector.load %arg2[%get3A_8, %get3A_9, %get3A_10] : memref<2x256x2048xf32, #tpu.memory_space<vmem>>, vector<1x256x2048xf32>
    %get3A_12 = vector.shape_cast %get3A_11 : vector<1x256x2048xf32> to vector<256x2048xf32>
    %add3A_13 = arith.constant 9.99999968E-21 : f32
    %add3A_14 = vector.broadcast %add3A_13 : f32 to vector<256x2048xf32>
    %add3A_15 = arith.addf %get3A_12, %add3A_14 : vector<256x2048xf32>
    %log3A_16 = math.log %add3A_15 : vector<256x2048xf32>
    %sub3A_17 = arith.constant 9.99999968E-21 : f32
    %sub3A_18 = vector.broadcast %sub3A_17 : f32 to vector<256x2048xf32>
    %sub3A_19 = arith.subf %sub3A_18, %log3A_16 : vector<256x2048xf32>
    %get3A_20 = arith.constant 0 : index
    %get3A_21 = arith.constant 0 : index
    %get3A_22 = arith.constant 0 : index
    %get3A_23 = vector.load %arg1[%get3A_20, %get3A_21, %get3A_22] : memref<2x256x2048xf32, #tpu.memory_space<vmem>>, vector<1x256x2048xf32>
    %get3A_24 = vector.shape_cast %get3A_23 : vector<1x256x2048xf32> to vector<256x2048xf32>
    %get3A_25 = arith.constant 1 : index
    %get3A_26 = arith.constant 0 : index
    %get3A_27 = arith.constant 0 : index
    %get3A_28 = vector.load %arg1[%get3A_25, %get3A_26, %get3A_27] : memref<2x256x2048xf32, #tpu.memory_space<vmem>>, vector<1x256x2048xf32>
    %get3A_29 = vector.shape_cast %get3A_28 : vector<1x256x2048xf32> to vector<256x2048xf32>
    %sub3A_30 = arith.subf %get3A_24, %get3A_29 : vector<256x2048xf32>
    %div3A = arith.divf %sub3A_19, %sub3A_7 : vector<256x2048xf32>
    %log3A_31 = math.log %div3A : vector<256x2048xf32>
    %add3A_32 = arith.addf %sub3A_30, %log3A_31 : vector<256x2048xf32>
    %mul3A = arith.constant 1.000000e-01 : f32
    %mul3A_33 = vector.broadcast %mul3A : f32 to vector<256x2048xf32>
    %mul3A_34 = arith.mulf %add3A_32, %mul3A_33 : vector<256x2048xf32>
    %logistic3A = arith.negf %mul3A_34 : vector<256x2048xf32>
    %logistic3A_35 = math.exp %logistic3A : vector<256x2048xf32>
    %logistic3A_36 = arith.constant 1.000000e+00 : f32
    %logistic3A_37 = vector.broadcast %logistic3A_36 : f32 to vector<256x2048xf32>
    %logistic3A_38 = arith.addf %logistic3A_37, %logistic3A_35 : vector<256x2048xf32>
    %logistic3A_39 = arith.divf %logistic3A_37, %logistic3A_38 : vector<256x2048xf32>
    %swap3A = arith.constant 0 : index
    %swap3A_40 = arith.constant 0 : index
    %swap3A_41 = vector.load %arg3[%swap3A, %swap3A_40] : memref<256x2048xf32, #tpu.memory_space<vmem>>, vector<256x2048xf32>
    tpu.vector_store %arg3[%swap3A, %swap3A_40], %logistic3A_39 {strides = array<i32>} : memref<256x2048xf32, #tpu.memory_space<vmem>>, vector<256x2048xf32>,
    return
  }
  func.func @transform_0(%arg0: i32) -> (i32, i32, i32) {
    %c0_i32 = arith.constant 0 : i32
    %c0_i32_0 = arith.constant 0 : i32
    %c0_i32_1 = arith.constant 0 : i32
    return %c0_i32, %arg0, %c0_i32_0 : i32, i32, i32
  }
  func.func @transform_1(%arg0: i32) -> (i32, i32, i32) {
    %c0_i32 = arith.constant 0 : i32
    %c0_i32_0 = arith.constant 0 : i32
    %c0_i32_1 = arith.constant 0 : i32
    return %c0_i32, %arg0, %c0_i32_0 : i32, i32, i32
  }
  func.func @transform_2(%arg0: i32) -> (i32, i32) {
    %c0_i32 = arith.constant 0 : i32
    %c0_i32_0 = arith.constant 0 : i32
    return %arg0, %c0_i32 : i32, i32
  }
}

</mosaic_0001>

<sc_bundles>
// kernel: sparse-core-data-format-call.cloned.1.call-start
scs
called_computation_lowered:
.L_overlay_start_0:
0x0: {  	s2 =	sld [smem:$0x3FD9]  }
0x1: {  	s3 =	sld [smem:$0x3FFE];
	_ =	sdelay $0x1  }
0x2: {  	s1 =	srdreg.scid  }
0x3: {  	s0 =	sand.u32 $0x1, s1  }
0x4: {  	s18 =	sshll.u32 s0, $0xA;
	s2 =	sadd.s32 s3, s2  }
0x5: {  	s2 =	sadd.s32 s2, s18  }
0x6: {  	[smem:$0x3FC6] =	sst s2  }
0x7: {  	_ = 	snop  }
0x8: {  	s2 =	sld [smem:$0x3FC8];
	(tm) =	ssettm $0x1  }
0x9: {  	s19 =	sld [smem:$0x3FFB];
	_ =	sdelay $0x3  }
0xa: {  	_ =	strace s19  }
0xb: {  	s3 =	sld [smem:$0x3FFC];
	_ =	sdelay $0x3  }
0xc: {  	_ =	strace s3  }
0xd: {  	s3 =	sld [smem:$0x3FFD];
	_ =	sdelay $0x3  }
0xe: {  	_ =	strace s3  }
0xf: {  	_ =	strace $0x8FFFFFFF  }
0x10: {  	s20 =	sld [smem:$0x3FDB];
	_ =	sdelay $0x1  }
0x11: {  	s4 =	simm.s32 $_scs_section_size  }
0x12: {  	s5 =	simm.s32 $_size__tile_overlayer_lowered;
	s6 =	simm.s32 $_tile_overlayer_lowered  }
0x13: {  	s23 =	simm.s32 $0x1BFF;
	s22 =	sshll.u32 s6, $0x1;
	s3 =	sadd.s32 s4, s20  }
0x14: {  	s7 =	simm.s32 $0x0;
	s21 =	sshll.u32 s5, $0x1;
	s5 =	sadd.s32 s22, s3  }
0x15: {  	[timem:s7], [sflag:s23] =	dma.local [hbm:s5], s21  }
0x16: {  	_ =	swait.ge [sflag:s23], s21  }
0x17: {  	s4 =	ssub.s32 $0x0, s21;
	[sflag:s23] =	ssyncset.done $0x0  }
0x18: {  	[sflag:s23] =	ssyncadd.s32 s4;
	_ =	sdelay $0x1  }
0x19: {  	s24 =	simm.s32 $0x1B8B  }
0x1a: {  	_ =	swait.ge [sflag:s24], $0x1  }
0x1b: {  	[sflag:s24] =	ssyncset.done $0x0  }
0x1c: {  	s26 =	simm.s32 $0x1B8E;
	s25 =	sld [smem:$0x3FFE];
	[sflag:s24] =	ssyncadd.s32 $0xFFFFFFFF  }
0x1d: {  	s27 =	simm.s32 $execute0_lowered;
	[smem:$0x3FD2] =	sst s26  }
0x1e: {  	s5 =	sshll.u32 s27, $0x1;
	_ =	strace $0x80000046;
	[dreg:$0x1] =	wrdreg $0xFFFFFFFF  }
0x1f: {  	s28 =	simm.s32 $_size_execute0_lowered;
	s3 =	sadd.s32 s3, s5;
	[dreg:$0x0] =	wrdreg $0x0  }
0x20: {  	s5 =	sshll.u32 s28, $0x1;
	[dreg:$0x2] =	wrdreg s3  }
0x21: {  	[dreg:$0x3] =	wrdreg s5  }
0x22: {  	[dreg:$0x4] =	wrdreg $0xC0  }
0x23: {  	_ =	task [dreg:s7], $0x5FFFF  }
0x24: {  	[dreg:$0x1] =	wrdreg $0xFFFFFFFF  }
0x25: {  	[dreg:$0x0] =	wrdreg $0x60  }
0x26: {  	[dreg:$0x2] =	wrdreg s2  }
0x27: {  	[dreg:$0x3] =	wrdreg s25  }
0x28: {  	[dreg:$0x4] =	wrdreg $0x9  }
0x29: {  	_ =	task.clear_ibuf [dreg:s7], $0x5FFFF;
	_ =	strace $0x90000046  }
0x2a: {  	s29 =	simm.s32 $0x9;
	_ =	strace $0x80000048  }
0x2b: {  	_ =	swait.ge [sflag:s29], $0x1  }
0x2c: {  	[sflag:s29] =	ssyncadd.s32 $0xFFFFFFFF  }
0x2d: {  	_ =	strace $0x90000048  }
0x2e: {  	_ =	sfence  }
0x2f: {  	s30 =	sld [smem:$0x0];
	_ =	sdelay $0x2  }
0x30: {  	s31 =	sshll.u32 s1, $0xD;
	s1 =	sshrl.u32 s1, $0x2  }
0x31: {  	s3 =	sand.u32 $0x4000, s31;
	s1 =	sadd.s32 s1, s30  }
0x32: {  	s0 =	sor.u32 s3, s0;
	s1 =	sshll.u32 s1, $0x11  }
0x33: {  	s0 =	sor.u32 s1, s0  }
0x34: {  	s0 =	sadd.s32 $0x8F2B, s0  }
0x35: {  	[sflag:s0] =	ssyncadd.remote.s32 $0x1  }
0x36: {  	_ =	sfence.sel $0xFFFF  }
0x37: {  	[dreg:$0x0] =	wrdreg $0xFFFFFFFF;
	(pc) =	sbr.abs _section_cstart, $3  }
0x38: {  	[dreg:$0x1] =	wrdreg $0xFFFFFFFF  }
0x39: {  	_ =	task.clear_ibuf [dreg:s7], $0x2FFFF;
	_ =	strace $0x9FFFFFFF  }
0x3a: {  	(tm) =	ssettm $0x7FFFFFFF  }
0x3b: {  	_ =	shalt  }
tec
execute0_lowered:
.L_overlay_start_1:
0x0: {  	(tag) =	ssettag $0x1  }
0x1: {  	s2 =	rddreg [dreg:$0x0]  }
0x2: {  	s0 =	srdreg.scid;
	s5 =	rddreg [dreg:$0x1]  }
0x3: {  	s4 =	simm.s32 $0x1;
	s8 =	simm.s32 $0x2;
	s1 =	sshll.u32 s0, $0x4  }
0x4: {  	s13 =	simm.s32 $0x0;
	s0 =	stileid.u32;
	s1 =	sand.u32 $0x10, s1  }
0x5: {  	s14 =	simm.s32 $0x0;
	s15 =	simm.s32 $0x0;
	s1 =	sor.u32 s0, s1  }
0x6: {  	s9 =	simm.s32 $0x0;
	s10 =	simm.s32 $0x0;
	s3 =	sshll.u32 s1, $0x3  }
0x7: {  	s12 =	simm.s32 $0x0;
	s5 =	sadd.s32 $0x400, s5;
	s6 =	ssub.s32 $0x800, s3  }
.Ltmp0:
0x8: {  	s1 =	rddreg [dreg:$0x2];
	s7 =	sand.u32 $0xF8, s6;
	(pc) =	sbr.rel .LBB1_1-.Ltmp0, $4  }
0x9: {  	_ =	strace $0x80000047;
	p0 =	sne.s32 s7, $0x0;
	s7 =	simm.s32 $0x1  }
0xa: {  	[sflag:s4] =	ssyncpa.u1 $0x0;
	s6 =	sshrl.u32 s6, $0x8;
	s7 =	simm.s32 @!p0 $0x0  }
0xb: {  	s11 =	smov.u32 s3;
	[sflag:s8] =	ssyncpa.u1 $0x0;
	s7 =	sadd.s32 s7, s6  }
0xc: {  	s8 =	simm.s32 $0x400000;
	s6 =	sshll.u32 s7, $0x1;
	s7 =	sshllo.u32 s7, $0x1  }
.LBB1_9:
0xd: {  	s16 =	sadd.s32 $0x400, s9  }
0xe: {  	s13 =	sadd.s32 $0x2, s10;
	s17 =	smov.u32 s10;
	p1 =	sgt.s32 s16, $0x7FF  }
0xf: {  	s17 =	smov.u32 @p1 s13  }
0x10: {  	s19 =	smov.u32 s11;
	s13 =	sadd.s32 $0x100, s11;
	p2 =	sgt.s32 s17, $0x1  }
0x11: {  	s19 =	smov.u32 @p2 s13  }
0x12: {  	s16 =	simm.s32 @p1 $0x0;
	p1 =	sgt.s32 s19, $0x7FF  }
0x13: {  	p0 =	slt.u32 s12, $0x2;
	s19 =	smov.u32 @p1 s3;
	p1 =	sne.s32 s12, s7  }
.Ltmp1:
0x14: {  	s18 =	simm.s32 @!p0 $0x2;
	(pc) =	sbr.rel @!p1 .LBB1_10-.Ltmp1, $4  }
0x15: {  	s14 =	smov.u32 s10;
	_ =	swait.ge @!p0 [sflag:s18], $0x4000  }
0x16: {  	s15 =	smov.u32 s11;
	[sflag:s18] =	ssyncset.done @!p0 $0x0;
	s17 =	simm.s32 @p2 $0x0  }
0x17: {  	s13 =	smov.u32 s9;
	[sflag:s18] =	ssyncadd.s32 @!p0 $0xFFFFC000;
	s9 =	smov.u32 s16  }
0x18: {  	s10 =	smov.u32 s17;
	s12 =	sadd.s32 $0x1, s12;
	s11 =	smov.u32 s19  }
.LBB1_1:
0x19: {  	p0 =	sge.u32 s12, s6  }
0x1a: {  	s16 =	sshll.u32 @!p0 s10, $0x7  }
0x1b: {  	s17 =	sand.u32 @!p0 $0x78, s9;
	s18 =	sshll.u32 @!p0 s9, $0x1;
	s16 =	sand.u32 @!p0 $0x80, s16  }
0x1c: {  	s31 =	sadd.s32 $0xFFFFFFFF, s12;
	s18 =	sand.u32 @!p0 $0x700, s18;
	s16 =	sor.u32 @!p0 s16, s17  }
0x1d: {  	s17 =	sshll.u32 @!p0 s11, $0x9;
	s16 =	sor.u32 @!p0 s18, s16;
	s18 =	sshrl.u32 @!p0 s9, $0x2  }
0x1e: {  	s19 =	sxor.u32 @!p0 $0xFFFFFFFF, s12;
	s17 =	sadd.s32 @!p0 s2, s17;
	s18 =	sand.u32 @!p0 $0x100, s18  }
0x1f: {  	s19 =	sshll.u32 @!p0 s19, $0xE;
	s17 =	sadd.s32 @!p0 s18, s17;
	s18 =	sand.u32 @!p0 $0x7, s9  }
0x20: {  	s19 =	sand.u32 @!p0 $0x4000, s19;
	s16 =	sshrl.u32 @!p0 s16, $0x3;
	s18 =	sshll.u32 @!p0 s18, $0x12  }
0x21: {  	s16 =	sadd.s32 @!p0 s16, s17;
	s17 =	sor.u32 @!p0 $0x800, s18;
	s18 =	simm.s32 @!p0 $0x1000  }
0x22: {  	[tilespmem:s19], [sflag:$0x1] =	stream.strided.gather @!p0 [hbm4b:s16+s17], $0x4000, s18, s17, $0x38;
	[tilespmem:$0x10000] =	vst v63  }
0x23: {  	p0 =	sge.u32 s31, s6  }
.Ltmp2:
0x24: {  	_ = 	snop;
	(pc) =	sbr.rel @p0 .LBB1_9-.Ltmp2, $1  }
0x25: {  	_ =	sdelay $0x3  }
0x26: {  	_ =	swait.ge [sflag:s4], $0x4000;
	s16 =	sshll.u32 s12, $0xE  }
0x27: {  	[sflag:s4] =	ssyncset.done $0x0;
	s17 =	sand.u32 $0x4000, s16  }
0x28: {  	s18 =	simm.s32 $0x0;
	[sflag:s4] =	ssyncadd.s32 $0xFFFFC000;
	s16 =	sor.u32 $0x8000, s17  }
.LBB1_3:
0x29: {  	s21 =	sshll.u32 s18, $0xB  }
0x2a: {  	s22 =	sshll.u32 s18, $0x7;
	p1 =	por $0x1, $0x1;
	v1 =	vmov s21  }
0x2b: {  	s19 =	sadd.s32 s21, s17;
	s20 =	sadd.s32 s22, s16;
	v0 =	vmov s22;
	s21 =	simm.s32 $0x0  }
.LBB1_4:
0x2c: {  	s22 =	sshll.u32 s21, $0x7  }
0x2d: {  	s25 =	sadd.s32 s22, s19  }
0x2e: {  	v2 =	vmov s25  }
0x2f: {  	s24 =	sshll.u32 s21, $0xD;
	p0 =	por p1, p1;
	s23 =	simm.s32 $0x0  }
0x30: {  	p1 =	por $0x1, $0x1;
	s21 =	sadd.s32 s24, s16;
	s22 =	sadd.s32 s22, s17;
	v3 =	vmov s24  }
.LBB1_5:
0x31: {  	s23 =	sshll.u32 s23, $0x3  }
0x32: {  	s24 =	sshra.s32 s23, $0x2  }
0x33: {  	v4 =	vld.idx.msk [tilespmem:v2+s24+$0x0 ss:$0x1], $0xffff;
	s24 =	sadd.s32 s24, s22  }
0x34: {  	v5 =	vld.idx.msk [tilespmem:v1+s24+$0x10 ss:$0x1], $0xffff  }
0x35: {  	v6 =	vld.idx.msk [tilespmem:v1+s24+$0x20 ss:$0x1], $0xffff  }
0x36: {  	s23 =	sand.u32 $0x3FFFFFF8, s23;
	v7 =	vld.idx.msk [tilespmem:v1+s24+$0x30 ss:$0x1], $0xffff  }
0x37: {  	s25 =	sadd.s32 s23, s21;
	v8 =	vld.idx.msk [tilespmem:v1+s24+$0x40 ss:$0x1], $0xffff  }
0x38: {  	s23 =	sadd.s32 s23, s20;
	[tilespmem:v0+s25+$0x0 ss:$0x1] =	vst.idx.msk $0xffff, v4;
	v4 =	vld.idx.msk [tilespmem:v1+s24+$0x50 ss:$0x1], $0xffff  }
0x39: {  	[tilespmem:v3+s23+$0x10 ss:$0x1] =	vst.idx.msk $0xffff, v5;
	v5 =	vld.idx.msk [tilespmem:v1+s24+$0x60 ss:$0x1], $0xffff  }
0x3a: {  	v49 =	vld.idx.msk [tilespmem:v1+s24+$0x70 ss:$0x1], $0xffff;
	[tilespmem:v3+s23+$0x20 ss:$0x1] =	vst.idx.msk $0xffff, v6  }
0x3b: {  	v50 =	vld.idx.msk [tilespmem:v1+s24+$0x100 ss:$0x1], $0xffff;
	[tilespmem:v3+s23+$0x30 ss:$0x1] =	vst.idx.msk $0xffff, v7  }
0x3c: {  	v51 =	vld.idx.msk [tilespmem:v1+s24+$0x110 ss:$0x1], $0xffff;
	[tilespmem:v3+s23+$0x40 ss:$0x1] =	vst.idx.msk $0xffff, v8  }
0x3d: {  	[tilespmem:v3+s23+$0x50 ss:$0x1] =	vst.idx.msk $0xffff, v4;
	v4 =	vld.idx.msk [tilespmem:v1+s24+$0x120 ss:$0x1], $0xffff  }
0x3e: {  	[tilespmem:v3+s23+$0x60 ss:$0x1] =	vst.idx.msk $0xffff, v5;
	v5 =	vld.idx.msk [tilespmem:v1+s24+$0x130 ss:$0x1], $0xffff  }
0x3f: {  	v52 =	vld.idx.msk [tilespmem:v1+s24+$0x140 ss:$0x1], $0xffff;
	[tilespmem:v3+s23+$0x70 ss:$0x1] =	vst.idx.msk $0xffff, v49  }
0x40: {  	v53 =	vld.idx.msk [tilespmem:v1+s24+$0x150 ss:$0x1], $0xffff;
	[tilespmem:v0+s25+$0x400 ss:$0x1] =	vst.idx.msk $0xffff, v50  }
0x41: {  	v54 =	vld.idx.msk [tilespmem:v1+s24+$0x160 ss:$0x1], $0xffff;
	[tilespmem:v3+s23+$0x410 ss:$0x1] =	vst.idx.msk $0xffff, v51  }
0x42: {  	[tilespmem:v3+s23+$0x420 ss:$0x1] =	vst.idx.msk $0xffff, v4;
	v4 =	vld.idx.msk [tilespmem:v1+s24+$0x170 ss:$0x1], $0xffff  }
0x43: {  	[tilespmem:v3+s23+$0x430 ss:$0x1] =	vst.idx.msk $0xffff, v5;
	v5 =	vld.idx.msk [tilespmem:v1+s24+$0x200 ss:$0x1], $0xffff  }
0x44: {  	v55 =	vld.idx.msk [tilespmem:v1+s24+$0x210 ss:$0x1], $0xffff;
	[tilespmem:v3+s23+$0x440 ss:$0x1] =	vst.idx.msk $0xffff, v52  }
0x45: {  	v56 =	vld.idx.msk [tilespmem:v1+s24+$0x220 ss:$0x1], $0xffff;
	[tilespmem:v3+s23+$0x450 ss:$0x1] =	vst.idx.msk $0xffff, v53  }
0x46: {  	v57 =	vld.idx.msk [tilespmem:v1+s24+$0x230 ss:$0x1], $0xffff;
	[tilespmem:v3+s23+$0x460 ss:$0x1] =	vst.idx.msk $0xffff, v54  }
0x47: {  	[tilespmem:v3+s23+$0x470 ss:$0x1] =	vst.idx.msk $0xffff, v4;
	v4 =	vld.idx.msk [tilespmem:v1+s24+$0x240 ss:$0x1], $0xffff  }
0x48: {  	[tilespmem:v0+s25+$0x800 ss:$0x1] =	vst.idx.msk $0xffff, v5;
	v5 =	vld.idx.msk [tilespmem:v1+s24+$0x250 ss:$0x1], $0xffff  }
0x49: {  	v58 =	vld.idx.msk [tilespmem:v1+s24+$0x260 ss:$0x1], $0xffff;
	[tilespmem:v3+s23+$0x810 ss:$0x1] =	vst.idx.msk $0xffff, v55  }
0x4a: {  	v59 =	vld.idx.msk [tilespmem:v1+s24+$0x270 ss:$0x1], $0xffff;
	[tilespmem:v3+s23+$0x820 ss:$0x1] =	vst.idx.msk $0xffff, v56  }
0x4b: {  	v60 =	vld.idx.msk [tilespmem:v1+s24+$0x300 ss:$0x1], $0xffff;
	[tilespmem:v3+s23+$0x830 ss:$0x1] =	vst.idx.msk $0xffff, v57  }
0x4c: {  	[tilespmem:v3+s23+$0x840 ss:$0x1] =	vst.idx.msk $0xffff, v4;
	v4 =	vld.idx.msk [tilespmem:v1+s24+$0x310 ss:$0x1], $0xffff  }
0x4d: {  	[tilespmem:v3+s23+$0x850 ss:$0x1] =	vst.idx.msk $0xffff, v5;
	v5 =	vld.idx.msk [tilespmem:v1+s24+$0x320 ss:$0x1], $0xffff  }
0x4e: {  	v61 =	vld.idx.msk [tilespmem:v1+s24+$0x330 ss:$0x1], $0xffff;
	[tilespmem:v3+s23+$0x860 ss:$0x1] =	vst.idx.msk $0xffff, v58  }
0x4f: {  	v62 =	vld.idx.msk [tilespmem:v1+s24+$0x340 ss:$0x1], $0xffff;
	[tilespmem:v3+s23+$0x870 ss:$0x1] =	vst.idx.msk $0xffff, v59  }
0x50: {  	v63 =	vld.idx.msk [tilespmem:v1+s24+$0x350 ss:$0x1], $0xffff;
	[tilespmem:v0+s25+$0xC00 ss:$0x1] =	vst.idx.msk $0xffff, v60  }
0x51: {  	[tilespmem:v3+s23+$0xC10 ss:$0x1] =	vst.idx.msk $0xffff, v4;
	v4 =	vld.idx.msk [tilespmem:v1+s24+$0x360 ss:$0x1], $0xffff  }
0x52: {  	p2 =	por p1, p1;
	[tilespmem:v3+s23+$0xC20 ss:$0x1] =	vst.idx.msk $0xffff, v5;
	v5 =	vld.idx.msk [tilespmem:v1+s24+$0x370 ss:$0x1], $0xffff  }
.Ltmp3:
0x53: {  	[tilespmem:v3+s23+$0xC30 ss:$0x1] =	vst.idx.msk $0xffff, v61;
	(pc) =	sbr.rel @p2 .LBB1_5-.Ltmp3, $4  }
0x54: {  	[tilespmem:v3+s23+$0xC40 ss:$0x1] =	vst.idx.msk $0xffff, v62  }
0x55: {  	[tilespmem:v3+s23+$0xC50 ss:$0x1] =	vst.idx.msk $0xffff, v63  }
0x56: {  	[tilespmem:v3+s23+$0xC60 ss:$0x1] =	vst.idx.msk $0xffff, v4  }
0x57: {  	p1 =	por $0x0, $0x0;
	[tilespmem:v3+s23+$0xC70 ss:$0x1] =	vst.idx.msk $0xffff, v5;
	s23 =	simm.s32 $0x200  }
.Ltmp4:
0x58: {  	(pc) =	sbr.rel @p0 .LBB1_4-.Ltmp4, $2  }
0x59: {  	_ =	sdelay $0x2  }
0x5a: {  	s21 =	simm.s32 $0x1;
	p1 =	por $0x0, $0x0  }
0x5b: {  	s18 =	sadd.s32 $0x1, s18  }
0x5c: {  	p0 =	sne.s32 s18, $0x8  }
.Ltmp5:
0x5d: {  	_ = 	snop;
	(pc) =	sbr.rel @p0 .LBB1_3-.Ltmp5, $1  }
0x5e: {  	_ =	sdelay $0x3  }
0x5f: {  	s17 =	sand.u32 $0x78, s13  }
0x60: {  	s18 =	sshll.u32 s15, $0xB;
	s29 =	sshll.u32 s15, $0x7;
	s19 =	sshll.u32 s13, $0x3  }
0x61: {  	s14 =	sshll.u32 s14, $0x13;
	s31 =	sand.u32 $0x7, s13;
	s18 =	sand.u32 $0x3FC000, s18  }
0x62: {  	s15 =	sand.u32 $0x380, s29;
	s18 =	sadd.s32 s18, s19;
	s19 =	sand.u32 $0x400, s19  }
.Ltmp6:
0x63: {  	s15 =	sor.u32 s15, s17;
	s30 =	sshrl.u32 s18, $0x3;
	(pc) =	sbr.rel .LBB1_9-.Ltmp6, $4  }
0x64: {  	s14 =	sadd.s32 s5, s14;
	s15 =	sor.u32 s19, s15;
	s17 =	sand.u32 $0x7FF00, s30  }
0x65: {  	s13 =	sshll.u32 s31, $0x12;
	s15 =	sshrl.u32 s15, $0x3;
	s14 =	sadd.s32 s17, s14  }
0x66: {  	s13 =	sor.u32 $0x2000, s13;
	s14 =	sadd.s32 s15, s14  }
0x67: {  	[hbm4b:s14+s13] =	stream.strided.scatter [tilespmem:s16], [sflag:$0x2], $0x4000, s8, s13, $0x38;
	[tilespmem:$0x10000] =	vst v63  }
.LBB1_10:
0x68: {  	_ =	sfence.sel $0x180000  }
0x69: {  	s2 =	simm.s32 $0x1;
	[bflag:$0x0] =	sbarrier.arrive $0xFFFF  }
0x6a: {  	s31 =	simm.s32 $0x2;
	[sflag:s2] =	ssyncpa.u1 $0x1  }
0x6b: {  	[sflag:s31] =	ssyncpa.u1 $0x1  }
0x6c: {  	p0 =	sne.s32 s0, $0x0;
	_ =	strace $0x90000047  }
0x6d: {  	s0 =	sadd.s32 @!p0 $0x100000, s1;
	[bflag:$0x2] =	sbarrier.arrive $0xFFFF  }
0x6e: {  	[sflag:s0] =	ssyncadd.tile.s32 @!p0 $0x1;
	_ =	shalt  }
.Lfunc_end1:
_tile_overlayer_lowered:
.L_overlay_start_2:
0x6f: {  	(tag) =	ssettag $0x2  }
0x70: {  	s0 =	rddreg [dreg:$0x0];
	s2 =	stileid.u32  }
0x71: {  	s1 =	rddreg [dreg:$0x1];
	p0 =	sne.s32 s2, $0x0  }
0x72: {  	s3 =	rddreg [dreg:$0x2];
	[bflag:$0x3] =	sbarrier.arrive $0xFFFF;
	s2 =	simm.s32 @!p0 $0x1C01  }
0x73: {  	[timem:s3], [sflag:s2] =	dma.local @!p0 [hbm:s0], s1  }
0x74: {  	s0 =	simm.s32 @!p0 $0x1  }
0x75: {  	_ =	swait.ge @!p0 [sflag:s0], s1  }
0x76: {  	s1 =	ssub.s32 @!p0 $0x0, s1;
	[sflag:s0] =	ssyncset.done @!p0 $0x0  }
0x77: {  	[sflag:s0] =	ssyncadd.s32 @!p0 s1  }
0x78: {  	[bflag:$0x3] =	sbarrier.arrive $0xFFFF  }
0x79: {  	_ =	shalt  }

</sc_bundles>
